<compile_context>
chip_gen: v7x
topology: tpu7x:2x2x1
jax: 0.10.2.dev20260603
libtpu: 0.0.44.dev20260713+nightly
codegen_flags: <defaults>
</compile_context>

<pallas_src>
import functools

import jax
import jax.numpy as jnp
from jax import lax
from jax.experimental import pallas as pl
from jax.experimental.pallas import tpu as pltpu
from jax.experimental.pallas import tpu_sc as plsc

BN = 8192
D_IN = 768
D_LAT = 256
K = 8192
R_BLK = 1024
K_BLK = 1024
NR = BN // R_BLK
NK = K // K_BLK
WIN = 2048
BLKS_PER_WIN = WIN // K_BLK


def _dist_argmin_body(z_ref, wq_ref, bq_ref, emb_ref,
                      zl_out_ref, idx_out_ref,
                      zn_ref, zsq_ref, en_ref, esq_ref, best_i_ref,
                      mw0_ref, aw0_ref, mw1_ref, aw1_ref, mw2_ref, aw2_ref):
    r = pl.program_id(0)
    k = pl.program_id(1)

    @pl.when(r == 0)
    def _normalize_codebook_block():
        e = emb_ref[pl.ds(k * K_BLK, K_BLK), :]
        en_norm = jnp.sqrt(jnp.sum(e * e, axis=1, keepdims=True))
        en = e / jnp.maximum(en_norm, 1e-12)
        en_ref[pl.ds(k * K_BLK, K_BLK), :] = en
        esq_ref[pl.ds(k * K_BLK, K_BLK), :] = jnp.sum(en * en, axis=1,
                                                      keepdims=True)

    @pl.when(k == 0)
    def _project_and_normalize_rows():
        zl = jnp.dot(z_ref[...], wq_ref[...],
                     preferred_element_type=jnp.float32) + bq_ref[...]
        zl_out_ref[...] = zl
        n = jnp.sqrt(jnp.sum(zl * zl, axis=1, keepdims=True))
        zn = zl / jnp.maximum(n, 1e-12)
        zsq_ref[...] = jnp.sum(zn * zn, axis=1, keepdims=True)
        zn_ref[...] = zn + zn

    en = en_ref[pl.ds(k * K_BLK, K_BLK), :]
    esq = esq_ref[pl.ds(k * K_BLK, K_BLK), :]
    s2 = lax.dot_general(zn_ref[...], en,
                         dimension_numbers=(((1,), (1,)), ((), ())),
                         preferred_element_type=jnp.float32)
    d = (zsq_ref[...] + esq.reshape(1, K_BLK)) - s2
    m_b = jnp.min(d, axis=1, keepdims=True)
    col = lax.broadcasted_iota(jnp.int32, (R_BLK, K_BLK), 1)
    a_b = jnp.min(jnp.where(d == m_b, col, K), axis=1,
                  keepdims=True) + k * K_BLK

    @pl.when(k % BLKS_PER_WIN == 0)
    def _start_window():
        mw0_ref[...] = m_b
        aw0_ref[...] = a_b

    @pl.when(k % BLKS_PER_WIN != 0)
    def _merge_window():
        upd = m_b < mw0_ref[...]
        aw0_ref[...] = jnp.where(upd, a_b, aw0_ref[...])
        mw0_ref[...] = jnp.where(upd, m_b, mw0_ref[...])

    @pl.when(k % BLKS_PER_WIN == BLKS_PER_WIN - 1)
    def _close_window():
        acc = mw0_ref[...]
        aw = aw0_ref[...]

        @pl.when(k == BLKS_PER_WIN - 1)
        def _first():
            best_i_ref[...] = aw
            mw1_ref[...] = acc.astype(jnp.bfloat16).astype(jnp.float32)

        @pl.when(k != BLKS_PER_WIN - 1)
        def _rest():
            t0 = mw1_ref[...]
            win = acc < t0
            eqw = (acc == t0) & (aw < best_i_ref[...])
            best_i_ref[...] = jnp.where(win | eqw, aw, best_i_ref[...])
            mw1_ref[...] = jnp.where(
                win, acc.astype(jnp.bfloat16).astype(jnp.float32), t0)

    @pl.when(k == NK - 1)
    def _emit_indices():
        idx_out_ref[...] = best_i_ref[...]


def _dist_argmin(z2d, W_q, b_q, emb):
    return pl.pallas_call(
        _dist_argmin_body,
        grid=(NR, NK),
        in_specs=[
            pl.BlockSpec((R_BLK, D_IN), lambda r, k: (r, 0)),
            pl.BlockSpec((D_IN, D_LAT), lambda r, k: (0, 0)),
            pl.BlockSpec((1, D_LAT), lambda r, k: (0, 0)),
            pl.BlockSpec((K, D_LAT), lambda r, k: (0, 0)),
        ],
        out_specs=[
            pl.BlockSpec((R_BLK, D_LAT), lambda r, k: (r, 0)),
            pl.BlockSpec((R_BLK, 1), lambda r, k: (r, 0)),
        ],
        out_shape=[
            jax.ShapeDtypeStruct((BN, D_LAT), jnp.float32),
            jax.ShapeDtypeStruct((BN, 1), jnp.int32),
        ],
        scratch_shapes=[
            pltpu.VMEM((R_BLK, D_LAT), jnp.float32),
            pltpu.VMEM((R_BLK, 1), jnp.float32),
            pltpu.VMEM((K, D_LAT), jnp.float32),
            pltpu.VMEM((K, 1), jnp.float32),
            pltpu.VMEM((R_BLK, 1), jnp.int32),
            pltpu.VMEM((R_BLK, 1), jnp.float32),
            pltpu.VMEM((R_BLK, 1), jnp.int32),
            pltpu.VMEM((R_BLK, 1), jnp.float32),
            pltpu.VMEM((R_BLK, 1), jnp.int32),
            pltpu.VMEM((R_BLK, 1), jnp.float32),
            pltpu.VMEM((R_BLK, 1), jnp.int32),
        ],
    )(z2d, W_q, b_q, emb)


def _sc_gather(emb, idx):
    info = plsc.get_sparse_core_info()
    nw = info.num_cores * info.num_subcores
    b_per_w = BN // nw
    mesh = plsc.VectorSubcoreMesh(core_axis_name="c", subcore_axis_name="s")

    @functools.partial(
        pl.kernel, mesh=mesh,
        out_type=jax.ShapeDtypeStruct((BN, D_LAT), jnp.float32),
        scratch_types=[
            pltpu.VMEM((b_per_w,), jnp.int32),
            pltpu.VMEM((b_per_w, D_LAT), jnp.float32),
            pltpu.SemaphoreType.DMA,
        ],
    )
    def gather_kernel(table_hbm, idx_hbm, out_hbm, idx_v, rows_v, sem):
        wid = lax.axis_index("s") * info.num_cores + lax.axis_index("c")
        base = wid * b_per_w
        pltpu.sync_copy(idx_hbm.at[pl.ds(base, b_per_w)], idx_v)
        pltpu.async_copy(table_hbm.at[idx_v], rows_v, sem).wait()
        pltpu.sync_copy(rows_v, out_hbm.at[pl.ds(base, b_per_w)])

    return gather_kernel(emb, idx)


def _project_out_body(zq_ref, zl_ref, wp_ref, bp_ref, out_ref, loss_ref):
    zq = zq_ref[...]
    zl = zl_ref[...]
    diff = zq - zl
    zq_st = zl + diff
    out_ref[...] = jnp.dot(zq_st, wp_ref[...],
                           preferred_element_type=jnp.float32) + bp_ref[...]
    m = jnp.mean(diff * diff, axis=1, keepdims=True)
    loss_ref[...] = m + m * 0.25


def _project_out(zq, zl, W_p, b_p):
    return pl.pallas_call(
        _project_out_body,
        grid=(NR,),
        in_specs=[
            pl.BlockSpec((R_BLK, D_LAT), lambda r: (r, 0)),
            pl.BlockSpec((R_BLK, D_LAT), lambda r: (r, 0)),
            pl.BlockSpec((D_LAT, D_IN), lambda r: (0, 0)),
            pl.BlockSpec((1, D_IN), lambda r: (0, 0)),
        ],
        out_specs=[
            pl.BlockSpec((R_BLK, D_IN), lambda r: (r, 0)),
            pl.BlockSpec((R_BLK, 1), lambda r: (r, 0)),
        ],
        out_shape=[
            jax.ShapeDtypeStruct((BN, D_IN), jnp.float32),
            jax.ShapeDtypeStruct((BN, 1), jnp.float32),
        ],
    )(zq, zl, W_p, b_p)


def kernel(z, W_q, b_q, emb, W_p, b_p):
    B, N, _ = z.shape
    z2d = z.reshape(BN, D_IN)
    zl, idx2d = _dist_argmin(z2d, W_q, b_q.reshape(1, D_LAT), emb)
    idx = idx2d.reshape(BN)
    zq = _sc_gather(emb, idx)
    out2d, loss2d = _project_out(zq, zl, W_p, b_p.reshape(1, D_IN))
    return (out2d.reshape(B, N, D_IN), idx, loss2d.reshape(B, N))

# --- scband reference (transcript-rebuilt; emitter-appended) ---
"""Pipeline reference for scband-codebook1-33535104647886 (READ-ONLY COPY).

The authoritative reference and input builder live on the scoring server;
editing this copy changes nothing except your own understanding.
"""

import jax, jax.numpy as jnp
import numpy as np

def l2norm(t):
    n = jnp.linalg.norm(t, ord=2, axis=-1, keepdims=True)
    return t / jnp.clip(n, 1e-12, None)

def setup_inputs(seed: int = 0):
    key = jax.random.key(seed)
    ks = jax.random.split(key, 6)
    B, N, D_in, D_lat, K = 8, 1024, 768, 256, 8192
    z = jax.random.normal(ks[0], (B, N, D_in), jnp.float32)
    W_q = jax.random.normal(ks[1], (D_in, D_lat), jnp.float32) * (1.0 / np.sqrt(D_in))
    b_q = jnp.zeros((D_lat,), jnp.float32)
    emb = jax.random.uniform(ks[2], (K, D_lat), jnp.float32, minval=-1.0 / K, maxval=1.0 / K)
    W_p = jax.random.normal(ks[3], (D_lat, D_in), jnp.float32) * (1.0 / np.sqrt(D_lat))
    b_p = jnp.zeros((D_in,), jnp.float32)
    return {"z": z, "W_q": W_q, "b_q": b_q, "emb": emb, "W_p": W_p, "b_p": b_p}

def reference(z, W_q, b_q, emb, W_p, b_p):
    beta = 0.25
    latent_dim = emb.shape[1]
    zl = z @ W_q + b_q
    z_flattened = zl.reshape(-1, latent_dim)
    z_q_emb = jax.lax.stop_gradient(emb)
    # l2norm_h = True
    z_flattened = l2norm(z_flattened)
    z_q_emb = l2norm(z_q_emb)
    d = (jnp.sum(z_flattened ** 2, axis=1, keepdims=True)
         + jnp.sum(z_q_emb ** 2, axis=1)
         - 2.0 * (z_flattened @ z_q_emb.T))
    min_encoding_indices = jnp.argmin(d, axis=1)
    z_q = jnp.take(emb, min_encoding_indices, axis=0).reshape(zl.shape)
    encoder_qloss = jnp.mean((jax.lax.stop_gradient(z_q) - zl) ** 2, axis=-1)
    code_qloss = jnp.mean((z_q - jax.lax.stop_gradient(zl)) ** 2, axis=-1)
    loss = encoder_qloss + code_qloss * beta
    z_q_st = zl + jax.lax.stop_gradient(z_q - zl)
    out = z_q_st @ W_p + b_p
    return (out, min_encoding_indices, loss)

if __name__ == "__main__":
    import jax
    _d = setup_inputs()
    print(jax.jit(kernel)(*tuple(_d.values())))

</pallas_src>

<mosaic_0001>
#map = affine_map<(d0, d1) -> (0, 0)>
#map1 = affine_map<(d0, d1) -> (0)>
module attributes {stable_mosaic.version = 14 : i64} {
  func.func @gather_kernel(%arg0: i32, %arg1: i32, %arg2: memref<8192x256xf32, #tpu.memory_space<hbm>>, %arg3: memref<8192xi32, #tpu.memory_space<hbm>>, %arg4: memref<8192x256xf32, #tpu.memory_space<hbm>>, %arg5: memref<256xi32, #tpu.memory_space<vmem>>, %arg6: memref<256x256xf32, #tpu.memory_space<vmem>>, %arg7: memref<!tpu.dma_semaphore, #tpu.memory_space<semaphore_mem>>) attributes {dimension_semantics = [#tpu.dimension_semantics<core_parallel>, #tpu.dimension_semantics<subcore_parallel>], iteration_bounds = array<i64: 2, 16>, scalar_prefetch = 0 : i64, scratch_operands = 3 : i64, tpu.core_type = #tpu.core_type<sc_vector_subcore>, window_params = [{transform_indices = #map}, {transform_indices = #map1}, {transform_indices = #map}]} {
    %mul3A = arith.constant 2 : i32
    %mul3A_0 = arith.muli %arg1, %mul3A : i32
    %add3A = arith.addi %mul3A_0, %arg0 : i32
    %mul3A_1 = arith.constant 256 : i32
    %mul3A_2 = arith.muli %add3A, %mul3A_1 : i32
    "tpu.region"() ({
      %run_scoped3A = tpu.sem_alloc : memref<!tpu.dma_semaphore, #tpu.memory_space<semaphore_mem>>
      %dma_start3A_7 = tpu.memref_slice %arg3[%mul3A_2] : memref<8192xi32, #tpu.memory_space<hbm>> -> memref<256xi32, #tpu.memory_space<hbm>>
      %dma_start3A_8 = tpu.memref_slice %arg3[%mul3A_2] : memref<8192xi32, #tpu.memory_space<hbm>> -> memref<256xi32, #tpu.memory_space<hbm>>
      tpu.enqueue_dma source(%dma_start3A_8 : memref<256xi32, #tpu.memory_space<hbm>>) target(%arg5 : memref<256xi32, #tpu.memory_space<vmem>>) target_semaphore(%run_scoped3A : memref<!tpu.dma_semaphore, #tpu.memory_space<semaphore_mem>>)
      %dma_wait3A_9 = tpu.memref_slice %arg3[%mul3A_2] : memref<8192xi32, #tpu.memory_space<hbm>> -> memref<256xi32, #tpu.memory_space<hbm>>
      %dma_wait3A_10 = tpu.memref_slice %arg3[%mul3A_2] : memref<8192xi32, #tpu.memory_space<hbm>> -> memref<256xi32, #tpu.memory_space<hbm>>
      tpu.wait_dma2 semaphore(%run_scoped3A : memref<!tpu.dma_semaphore, #tpu.memory_space<semaphore_mem>>) src(%dma_wait3A_10 : memref<256xi32, #tpu.memory_space<hbm>>) dst(%arg5 : memref<256xi32, #tpu.memory_space<vmem>>)
      tpu.yield
    }) : () -> ()
    %dma_start3A = arith.constant 0 : i32
    %dma_start3A_3 = arith.constant 0 : i32
    %dma_start3A_4 = tpu.memref_slice %arg2[%dma_start3A, %dma_start3A_3] : memref<8192x256xf32, #tpu.memory_space<hbm>> -> memref<8192x256xf32, #tpu.memory_space<hbm>>
    tpu.enqueue_indirect_dma source(%dma_start3A_4 : memref<8192x256xf32, #tpu.memory_space<hbm>>) target(%arg6 : memref<256x256xf32, #tpu.memory_space<vmem>>) offsets(%arg5 : memref<256xi32, #tpu.memory_space<vmem>>) semaphore(%arg7 : memref<!tpu.dma_semaphore, #tpu.memory_space<semaphore_mem>>)
    %dma_wait3A = arith.constant 0 : i32
    %dma_wait3A_5 = arith.constant 0 : i32
    %dma_wait3A_6 = tpu.memref_slice %arg2[%dma_wait3A, %dma_wait3A_5] : memref<8192x256xf32, #tpu.memory_space<hbm>> -> memref<8192x256xf32, #tpu.memory_space<hbm>>
    tpu.wait_indirect_dma semaphore(%arg7 : memref<!tpu.dma_semaphore, #tpu.memory_space<semaphore_mem>>) src(%dma_wait3A_6 : memref<8192x256xf32, #tpu.memory_space<hbm>>) dst(%arg6 : memref<256x256xf32, #tpu.memory_space<vmem>>)
    "tpu.region"() ({
      %run_scoped3A = tpu.sem_alloc : memref<!tpu.dma_semaphore, #tpu.memory_space<semaphore_mem>>
      %dma_start3A_7 = arith.constant 0 : i32
      %dma_start3A_8 = tpu.memref_slice %arg4[%mul3A_2, %dma_start3A_7] : memref<8192x256xf32, #tpu.memory_space<hbm>> -> memref<256x256xf32, #tpu.memory_space<hbm>>
      %dma_start3A_9 = arith.constant 0 : i32
      %dma_start3A_10 = tpu.memref_slice %arg4[%mul3A_2, %dma_start3A_9] : memref<8192x256xf32, #tpu.memory_space<hbm>> -> memref<256x256xf32, #tpu.memory_space<hbm>>
      tpu.enqueue_dma source(%arg6 : memref<256x256xf32, #tpu.memory_space<vmem>>) target(%dma_start3A_10 : memref<256x256xf32, #tpu.memory_space<hbm>>) target_semaphore(%run_scoped3A : memref<!tpu.dma_semaphore, #tpu.memory_space<semaphore_mem>>)
      %dma_wait3A_11 = arith.constant 0 : i32
      %dma_wait3A_12 = tpu.memref_slice %arg4[%mul3A_2, %dma_wait3A_11] : memref<8192x256xf32, #tpu.memory_space<hbm>> -> memref<256x256xf32, #tpu.memory_space<hbm>>
      %dma_wait3A_13 = arith.constant 0 : i32
      %dma_wait3A_14 = tpu.memref_slice %arg4[%mul3A_2, %dma_wait3A_13] : memref<8192x256xf32, #tpu.memory_space<hbm>> -> memref<256x256xf32, #tpu.memory_space<hbm>>
      tpu.wait_dma2 semaphore(%run_scoped3A : memref<!tpu.dma_semaphore, #tpu.memory_space<semaphore_mem>>) src(%arg6 : memref<256x256xf32, #tpu.memory_space<vmem>>) dst(%dma_wait3A_14 : memref<256x256xf32, #tpu.memory_space<hbm>>)
      tpu.yield
    }) : () -> ()
    return
  }
}

module attributes {stable_mosaic.version = 14 : i64} {
  func.func @_project_out_body(%arg0: i32, %arg1: memref<1024x256xf32, #tpu.memory_space<vmem>>, %arg2: memref<1024x256xf32, #tpu.memory_space<vmem>>, %arg3: memref<256x768xf32, #tpu.memory_space<vmem>>, %arg4: memref<1x768xf32, #tpu.memory_space<vmem>>, %arg5: memref<1024x768xf32, #tpu.memory_space<vmem>>, %arg6: memref<1024x1xf32, #tpu.memory_space<vmem>>) attributes {dimension_semantics = [#tpu.dimension_semantics<arbitrary>], iteration_bounds = array<i64: 8>, scalar_prefetch = 0 : i64, scratch_operands = 0 : i64, tpu.core_type = #tpu.core_type<tc>, window_params = [{transform_indices = @transform_0, window_bounds = array<i64: 1024, 256>}, {transform_indices = @transform_1, window_bounds = array<i64: 1024, 256>}, {pipeline_mode = #tpu.pipeline_mode<synchronous>, transform_indices = @transform_2, window_bounds = array<i64: 256, 768>}, {pipeline_mode = #tpu.pipeline_mode<synchronous>, transform_indices = @transform_3, window_bounds = array<i64: 1, 768>}, {transform_indices = @transform_4, window_bounds = array<i64: 1024, 768>}, {transform_indices = @transform_5, window_bounds = array<i64: 1024, 1>}]} {
    %get3A = arith.constant 0 : index
    %get3A_0 = arith.constant 0 : index
    %get3A_1 = vector.load %arg1[%get3A, %get3A_0] : memref<1024x256xf32, #tpu.memory_space<vmem>>, vector<1024x256xf32>
    %get3A_2 = arith.constant 0 : index
    %get3A_3 = arith.constant 0 : index
    %get3A_4 = vector.load %arg2[%get3A_2, %get3A_3] : memref<1024x256xf32, #tpu.memory_space<vmem>>, vector<1024x256xf32>
    %sub3A = arith.subf %get3A_1, %get3A_4 : vector<1024x256xf32>
    %add3A = arith.addf %get3A_4, %sub3A : vector<1024x256xf32>
    %get3A_5 = arith.constant 0 : index
    %get3A_6 = arith.constant 0 : index
    %get3A_7 = vector.load %arg3[%get3A_5, %get3A_6] : memref<256x768xf32, #tpu.memory_space<vmem>>, vector<256x768xf32>
    %dot_general3A = arith.constant dense<0.000000e+00> : vector<1024x768xf32>
    %dot_general3A_8 = tpu.matmul %add3A, %get3A_7, %dot_general3A {dimension_numbers = #tpu.dot_dimension_numbers<[1], [0], [0], [1], [0, 0, 1, 1], [], []>, transpose_lhs_hint = false} : vector<1024x256xf32>, vector<256x768xf32>, vector<1024x768xf32> -> vector<1024x768xf32>
    %get3A_9 = arith.constant 0 : index
    %get3A_10 = arith.constant 0 : index
    %get3A_11 = vector.load %arg4[%get3A_9, %get3A_10] : memref<1x768xf32, #tpu.memory_space<vmem>>, vector<1x768xf32>
    %add3A_12 = vector.broadcast %get3A_11 : vector<1x768xf32> to vector<1024x768xf32>
    %add3A_13 = arith.addf %dot_general3A_8, %add3A_12 : vector<1024x768xf32>
    %swap3A = arith.constant 0 : index
    %swap3A_14 = arith.constant 0 : index
    %swap3A_15 = vector.load %arg5[%swap3A, %swap3A_14] : memref<1024x768xf32, #tpu.memory_space<vmem>>, vector<1024x768xf32>
    tpu.vector_store %arg5[%swap3A, %swap3A_14], %add3A_13 {strides = array<i32>} : memref<1024x768xf32, #tpu.memory_space<vmem>>, vector<1024x768xf32>,
    %mul3A = arith.mulf %sub3A, %sub3A : vector<1024x256xf32>
    %reduce_sum3A = arith.constant dense<0.000000e+00> : vector<1024xf32>
    %reduce_sum3A_16 = vector.multi_reduction <add>, %mul3A, %reduce_sum3A [1] : vector<1024x256xf32> to vector<1024xf32>
    %broadcast_in_dim3A = vector.shape_cast %reduce_sum3A_16 : vector<1024xf32> to vector<1024x1xf32>
    %div3A = arith.constant 2.560000e+02 : f32
    %div3A_17 = vector.broadcast %div3A : f32 to vector<1024x1xf32>
    %div3A_18 = arith.divf %broadcast_in_dim3A, %div3A_17 : vector<1024x1xf32>
    %mul3A_19 = arith.constant 2.500000e-01 : f32
    %mul3A_20 = vector.broadcast %mul3A_19 : f32 to vector<1024x1xf32>
    %mul3A_21 = arith.mulf %div3A_18, %mul3A_20 : vector<1024x1xf32>
    %add3A_22 = arith.addf %div3A_18, %mul3A_21 : vector<1024x1xf32>
    %swap3A_23 = arith.constant 0 : index
    %swap3A_24 = arith.constant 0 : index
    %swap3A_25 = vector.load %arg6[%swap3A_23, %swap3A_24] : memref<1024x1xf32, #tpu.memory_space<vmem>>, vector<1024x1xf32>
    tpu.vector_store %arg6[%swap3A_23, %swap3A_24], %add3A_22 {strides = array<i32>} : memref<1024x1xf32, #tpu.memory_space<vmem>>, vector<1024x1xf32>,
    return
  }
  func.func @transform_0(%arg0: i32) -> (i32, i32) {
    %c0_i32 = arith.constant 0 : i32
    %c0_i32_0 = arith.constant 0 : i32
    return %arg0, %c0_i32 : i32, i32
  }
  func.func @transform_1(%arg0: i32) -> (i32, i32) {
    %c0_i32 = arith.constant 0 : i32
    %c0_i32_0 = arith.constant 0 : i32
    return %arg0, %c0_i32 : i32, i32
  }
  func.func @transform_2(%arg0: i32) -> (i32, i32) {
    %c0_i32 = arith.constant 0 : i32
    %c0_i32_0 = arith.constant 0 : i32
    %c0_i32_1 = arith.constant 0 : i32
    return %c0_i32, %c0_i32_0 : i32, i32
  }
  func.func @transform_3(%arg0: i32) -> (i32, i32) {
    %c0_i32 = arith.constant 0 : i32
    %c0_i32_0 = arith.constant 0 : i32
    %c0_i32_1 = arith.constant 0 : i32
    return %c0_i32, %c0_i32_0 : i32, i32
  }
  func.func @transform_4(%arg0: i32) -> (i32, i32) {
    %c0_i32 = arith.constant 0 : i32
    %c0_i32_0 = arith.constant 0 : i32
    return %arg0, %c0_i32 : i32, i32
  }
  func.func @transform_5(%arg0: i32) -> (i32, i32) {
    %c0_i32 = arith.constant 0 : i32
    %c0_i32_0 = arith.constant 0 : i32
    return %arg0, %c0_i32 : i32, i32
  }
}

module attributes {stable_mosaic.version = 14 : i64} {
  func.func @_dist_argmin_body(%arg0: i32, %arg1: i32, %arg2: memref<1024x768xf32, #tpu.memory_space<vmem>>, %arg3: memref<768x256xf32, #tpu.memory_space<vmem>>, %arg4: memref<1x256xf32, #tpu.memory_space<vmem>>, %arg5: memref<8192x256xf32, #tpu.memory_space<vmem>>, %arg6: memref<1024x256xf32, #tpu.memory_space<vmem>>, %arg7: memref<1024x1xi32, #tpu.memory_space<vmem>>, %arg8: memref<1024x256xf32, #tpu.memory_space<vmem>>, %arg9: memref<1024x1xf32, #tpu.memory_space<vmem>>, %arg10: memref<8192x256xf32, #tpu.memory_space<vmem>>, %arg11: memref<8192x1xf32, #tpu.memory_space<vmem>>, %arg12: memref<1024x1xi32, #tpu.memory_space<vmem>>, %arg13: memref<1024x1xf32, #tpu.memory_space<vmem>>, %arg14: memref<1024x1xi32, #tpu.memory_space<vmem>>, %arg15: memref<1024x1xf32, #tpu.memory_space<vmem>>, %arg16: memref<1024x1xi32, #tpu.memory_space<vmem>>, %arg17: memref<1024x1xf32, #tpu.memory_space<vmem>>, %arg18: memref<1024x1xi32, #tpu.memory_space<vmem>>) attributes {dimension_semantics = [#tpu.dimension_semantics<arbitrary>, #tpu.dimension_semantics<arbitrary>], iteration_bounds = array<i64: 8, 8>, scalar_prefetch = 0 : i64, scratch_operands = 11 : i64, tpu.core_type = #tpu.core_type<tc>, window_params = [{transform_indices = @transform_0, window_bounds = array<i64: 1024, 768>}, {pipeline_mode = #tpu.pipeline_mode<synchronous>, transform_indices = @transform_1, window_bounds = array<i64: 768, 256>}, {pipeline_mode = #tpu.pipeline_mode<synchronous>, transform_indices = @transform_2, window_bounds = array<i64: 1, 256>}, {pipeline_mode = #tpu.pipeline_mode<synchronous>, transform_indices = @transform_3, window_bounds = array<i64: 8192, 256>}, {transform_indices = @transform_4, window_bounds = array<i64: 1024, 256>}, {transform_indices = @transform_5, window_bounds = array<i64: 1024, 1>}]} {
    %eq3A = arith.constant 0 : i32
    %eq3A_0 = arith.cmpi eq, %arg0, %eq3A : i32
    %convert_element_type3A = arith.extui %eq3A_0 : i1 to i32
    %cond3A = arith.constant 0 : i32
    %cond3A_1 = arith.cmpi ne, %convert_element_type3A, %cond3A : i32
    scf.if %cond3A_1 {
      %mul3A_99 = arith.constant 1024 : i32
      %mul3A_100 = arith.muli %arg1, %mul3A_99 : i32
      %get3A_101 = arith.index_cast %mul3A_100 : i32 to index
      %get3A_102 = arith.constant 0 : index
      %get3A_103 = vector.load %arg5[%get3A_101, %get3A_102] : memref<8192x256xf32, #tpu.memory_space<vmem>>, vector<1024x256xf32>
      %mul3A_104 = arith.mulf %get3A_103, %get3A_103 : vector<1024x256xf32>
      %reduce_sum3A = arith.constant dense<0.000000e+00> : vector<1024xf32>
      %reduce_sum3A_105 = vector.multi_reduction <add>, %mul3A_104, %reduce_sum3A [1] : vector<1024x256xf32> to vector<1024xf32>
      %broadcast_in_dim3A_106 = vector.shape_cast %reduce_sum3A_105 : vector<1024xf32> to vector<1024x1xf32>
      %sqrt3A = math.sqrt %broadcast_in_dim3A_106 : vector<1024x1xf32>
      %max3A = arith.constant 9.99999996E-13 : f32
      %max3A_107 = vector.broadcast %max3A : f32 to vector<1024x1xf32>
      %max3A_108 = arith.maximumf %sqrt3A, %max3A_107 : vector<1024x1xf32>
      %div3A = vector.broadcast %max3A_108 : vector<1024x1xf32> to vector<1024x256xf32>
      %div3A_109 = arith.divf %get3A_103, %div3A : vector<1024x256xf32>
      %mul3A_110 = arith.constant 1024 : i32
      %mul3A_111 = arith.muli %arg1, %mul3A_110 : i32
      %swap3A = arith.index_cast %mul3A_111 : i32 to index
      %swap3A_112 = arith.constant 0 : index
      %swap3A_113 = vector.load %arg10[%swap3A, %swap3A_112] : memref<8192x256xf32, #tpu.memory_space<vmem>>, vector<1024x256xf32>
      tpu.vector_store %arg10[%swap3A, %swap3A_112], %div3A_109 {strides = array<i32>} : memref<8192x256xf32, #tpu.memory_space<vmem>>, vector<1024x256xf32>,
      %mul3A_114 = arith.mulf %div3A_109, %div3A_109 : vector<1024x256xf32>
      %reduce_sum3A_115 = arith.constant dense<0.000000e+00> : vector<1024xf32>
      %reduce_sum3A_116 = vector.multi_reduction <add>, %mul3A_114, %reduce_sum3A_115 [1] : vector<1024x256xf32> to vector<1024xf32>
      %broadcast_in_dim3A_117 = vector.shape_cast %reduce_sum3A_116 : vector<1024xf32> to vector<1024x1xf32>
      %mul3A_118 = arith.constant 1024 : i32
      %mul3A_119 = arith.muli %arg1, %mul3A_118 : i32
      %swap3A_120 = arith.index_cast %mul3A_119 : i32 to index
      %swap3A_121 = arith.constant 0 : index
      %swap3A_122 = vector.load %arg11[%swap3A_120, %swap3A_121] : memref<8192x1xf32, #tpu.memory_space<vmem>>, vector<1024x1xf32>
      tpu.vector_store %arg11[%swap3A_120, %swap3A_121], %broadcast_in_dim3A_117 {strides = array<i32>} : memref<8192x1xf32, #tpu.memory_space<vmem>>, vector<1024x1xf32>,
    } else {
    }
    %eq3A_2 = arith.constant 0 : i32
    %eq3A_3 = arith.cmpi eq, %arg1, %eq3A_2 : i32
    %convert_element_type3A_4 = arith.extui %eq3A_3 : i1 to i32
    %cond3A_5 = arith.constant 0 : i32
    %cond3A_6 = arith.cmpi ne, %convert_element_type3A_4, %cond3A_5 : i32
    scf.if %cond3A_6 {
      %get3A_99 = arith.constant 0 : index
      %get3A_100 = arith.constant 0 : index
      %get3A_101 = vector.load %arg2[%get3A_99, %get3A_100] : memref<1024x768xf32, #tpu.memory_space<vmem>>, vector<1024x768xf32>
      %get3A_102 = arith.constant 0 : index
      %get3A_103 = arith.constant 0 : index
      %get3A_104 = vector.load %arg3[%get3A_102, %get3A_103] : memref<768x256xf32, #tpu.memory_space<vmem>>, vector<768x256xf32>
      %dot_general3A_105 = arith.constant dense<0.000000e+00> : vector<1024x256xf32>
      %dot_general3A_106 = tpu.matmul %get3A_101, %get3A_104, %dot_general3A_105 {dimension_numbers = #tpu.dot_dimension_numbers<[1], [0], [0], [1], [0, 0, 1, 1], [], []>, transpose_lhs_hint = false} : vector<1024x768xf32>, vector<768x256xf32>, vector<1024x256xf32> -> vector<1024x256xf32>
      %get3A_107 = arith.constant 0 : index
      %get3A_108 = arith.constant 0 : index
      %get3A_109 = vector.load %arg4[%get3A_107, %get3A_108] : memref<1x256xf32, #tpu.memory_space<vmem>>, vector<1x256xf32>
      %add3A_110 = vector.broadcast %get3A_109 : vector<1x256xf32> to vector<1024x256xf32>
      %add3A_111 = arith.addf %dot_general3A_106, %add3A_110 : vector<1024x256xf32>
      %swap3A = arith.constant 0 : index
      %swap3A_112 = arith.constant 0 : index
      %swap3A_113 = vector.load %arg6[%swap3A, %swap3A_112] : memref<1024x256xf32, #tpu.memory_space<vmem>>, vector<1024x256xf32>
      tpu.vector_store %arg6[%swap3A, %swap3A_112], %add3A_111 {strides = array<i32>} : memref<1024x256xf32, #tpu.memory_space<vmem>>, vector<1024x256xf32>,
      %mul3A_114 = arith.mulf %add3A_111, %add3A_111 : vector<1024x256xf32>
      %reduce_sum3A = arith.constant dense<0.000000e+00> : vector<1024xf32>
      %reduce_sum3A_115 = vector.multi_reduction <add>, %mul3A_114, %reduce_sum3A [1] : vector<1024x256xf32> to vector<1024xf32>
      %broadcast_in_dim3A_116 = vector.shape_cast %reduce_sum3A_115 : vector<1024xf32> to vector<1024x1xf32>
      %sqrt3A = math.sqrt %broadcast_in_dim3A_116 : vector<1024x1xf32>
      %max3A = arith.constant 9.99999996E-13 : f32
      %max3A_117 = vector.broadcast %max3A : f32 to vector<1024x1xf32>
      %max3A_118 = arith.maximumf %sqrt3A, %max3A_117 : vector<1024x1xf32>
      %div3A = vector.broadcast %max3A_118 : vector<1024x1xf32> to vector<1024x256xf32>
      %div3A_119 = arith.divf %add3A_111, %div3A : vector<1024x256xf32>
      %mul3A_120 = arith.mulf %div3A_119, %div3A_119 : vector<1024x256xf32>
      %reduce_sum3A_121 = arith.constant dense<0.000000e+00> : vector<1024xf32>
      %reduce_sum3A_122 = vector.multi_reduction <add>, %mul3A_120, %reduce_sum3A_121 [1] : vector<1024x256xf32> to vector<1024xf32>
      %broadcast_in_dim3A_123 = vector.shape_cast %reduce_sum3A_122 : vector<1024xf32> to vector<1024x1xf32>
      %swap3A_124 = arith.constant 0 : index
      %swap3A_125 = arith.constant 0 : index
      %swap3A_126 = vector.load %arg9[%swap3A_124, %swap3A_125] : memref<1024x1xf32, #tpu.memory_space<vmem>>, vector<1024x1xf32>
      tpu.vector_store %arg9[%swap3A_124, %swap3A_125], %broadcast_in_dim3A_123 {strides = array<i32>} : memref<1024x1xf32, #tpu.memory_space<vmem>>, vector<1024x1xf32>,
      %add3A_127 = arith.addf %div3A_119, %div3A_119 : vector<1024x256xf32>
      %swap3A_128 = arith.constant 0 : index
      %swap3A_129 = arith.constant 0 : index
      %swap3A_130 = vector.load %arg8[%swap3A_128, %swap3A_129] : memref<1024x256xf32, #tpu.memory_space<vmem>>, vector<1024x256xf32>
      tpu.vector_store %arg8[%swap3A_128, %swap3A_129], %add3A_127 {strides = array<i32>} : memref<1024x256xf32, #tpu.memory_space<vmem>>, vector<1024x256xf32>,
    } else {
    }
    %mul3A = arith.constant 1024 : i32
    %mul3A_7 = arith.muli %arg1, %mul3A : i32
    %get3A = arith.index_cast %mul3A_7 : i32 to index
    %get3A_8 = arith.constant 0 : index
    %get3A_9 = vector.load %arg10[%get3A, %get3A_8] : memref<8192x256xf32, #tpu.memory_space<vmem>>, vector<1024x256xf32>
    %mul3A_10 = arith.constant 1024 : i32
    %mul3A_11 = arith.muli %arg1, %mul3A_10 : i32
    %get3A_12 = arith.index_cast %mul3A_11 : i32 to index
    %get3A_13 = arith.constant 0 : index
    %get3A_14 = vector.load %arg11[%get3A_12, %get3A_13] : memref<8192x1xf32, #tpu.memory_space<vmem>>, vector<1024x1xf32>
    %get3A_15 = arith.constant 0 : index
    %get3A_16 = arith.constant 0 : index
    %get3A_17 = vector.load %arg8[%get3A_15, %get3A_16] : memref<1024x256xf32, #tpu.memory_space<vmem>>, vector<1024x256xf32>
    %dot_general3A = arith.constant dense<0.000000e+00> : vector<1024x1024xf32>
    %dot_general3A_18 = tpu.matmul %get3A_17, %get3A_9, %dot_general3A {dimension_numbers = #tpu.dot_dimension_numbers<[1], [1], [0], [0], [0, 0, 1, 0], [], []>, transpose_lhs_hint = false} : vector<1024x256xf32>, vector<1024x256xf32>, vector<1024x1024xf32> -> vector<1024x1024xf32>
    %get3A_19 = arith.constant 0 : index
    %get3A_20 = arith.constant 0 : index
    %get3A_21 = vector.load %arg9[%get3A_19, %get3A_20] : memref<1024x1xf32, #tpu.memory_space<vmem>>, vector<1024x1xf32>
    %reshape3A = vector.shape_cast %get3A_14 : vector<1024x1xf32> to vector<1x1024xf32>
    %add3A = vector.broadcast %get3A_21 : vector<1024x1xf32> to vector<1024x1024xf32>
    %add3A_22 = vector.broadcast %reshape3A : vector<1x1024xf32> to vector<1024x1024xf32>
    %add3A_23 = arith.addf %add3A, %add3A_22 : vector<1024x1024xf32>
    %sub3A = arith.subf %add3A_23, %dot_general3A_18 : vector<1024x1024xf32>
    %reduce_min3A = arith.constant dense<0x7F800000> : vector<1024xf32>
    %reduce_min3A_24 = vector.multi_reduction <minimumf>, %sub3A, %reduce_min3A [1] : vector<1024x1024xf32> to vector<1024xf32>
    %broadcast_in_dim3A = vector.shape_cast %reduce_min3A_24 : vector<1024xf32> to vector<1024x1xf32>
    %iota3A = tpu.iota {dimensions = array<i32: 1>} : vector<1024x1024xi32>
    %eq3A_25 = vector.broadcast %broadcast_in_dim3A : vector<1024x1xf32> to vector<1024x1024xf32>
    %eq3A_26 = arith.cmpf oeq, %sub3A, %eq3A_25 : vector<1024x1024xf32>
    %jit3A = arith.constant 8192 : i32
    %broadcast_in_dim3A_27 = vector.broadcast %jit3A : i32 to vector<1024x1024xi32>
    %select_n3A = arith.select %eq3A_26, %iota3A, %broadcast_in_dim3A_27 : vector<1024x1024xi1>, vector<1024x1024xi32>
    %reduce_min3A_28 = arith.constant dense<2147483647> : vector<1024xi32>
    %reduce_min3A_29 = vector.multi_reduction <minsi>, %select_n3A, %reduce_min3A_28 [1] : vector<1024x1024xi32> to vector<1024xi32>
    %broadcast_in_dim3A_30 = vector.shape_cast %reduce_min3A_29 : vector<1024xi32> to vector<1024x1xi32>
    %mul3A_31 = arith.constant 1024 : i32
    %mul3A_32 = arith.muli %arg1, %mul3A_31 : i32
    %add3A_33 = vector.broadcast %mul3A_32 : i32 to vector<1024x1xi32>
    %add3A_34 = arith.addi %broadcast_in_dim3A_30, %add3A_33 : vector<1024x1xi32>
    %jit3A_35 = arith.constant 2 : i32
    %eq3A_36 = arith.constant 0 : i32
    %eq3A_37 = arith.cmpi eq, %jit3A_35, %eq3A_36 : i32
    %jit3A_38 = arith.constant 1 : i32
    %select_n3A_39 = arith.select %eq3A_37, %jit3A_38, %jit3A_35 : i32
    %rem3A = arith.remsi %arg1, %select_n3A_39 : i32
    %ne3A = arith.constant 0 : i32
    %ne3A_40 = arith.cmpi ne, %rem3A, %ne3A : i32
    %lt3A = arith.constant 0 : i32
    %lt3A_41 = arith.cmpi slt, %rem3A, %lt3A : i32
    %lt3A_42 = arith.constant 0 : i32
    %lt3A_43 = arith.cmpi slt, %select_n3A_39, %lt3A_42 : i32
    %ne3A_44 = arith.xori %lt3A_41, %lt3A_43 : i1
    %and3A = arith.andi %ne3A_44, %ne3A_40 : i1
    %add3A_45 = arith.addi %rem3A, %select_n3A_39 : i32
    %select_n3A_46 = arith.select %and3A, %add3A_45, %rem3A : i32
    %eq3A_47 = arith.constant 0 : i32
    %eq3A_48 = arith.cmpi eq, %select_n3A_46, %eq3A_47 : i32
    %convert_element_type3A_49 = arith.extui %eq3A_48 : i1 to i32
    %cond3A_50 = arith.constant 0 : i32
    %cond3A_51 = arith.cmpi ne, %convert_element_type3A_49, %cond3A_50 : i32
    scf.if %cond3A_51 {
      %swap3A = arith.constant 0 : index
      %swap3A_99 = arith.constant 0 : index
      %swap3A_100 = vector.load %arg13[%swap3A, %swap3A_99] : memref<1024x1xf32, #tpu.memory_space<vmem>>, vector<1024x1xf32>
      tpu.vector_store %arg13[%swap3A, %swap3A_99], %broadcast_in_dim3A {strides = array<i32>} : memref<1024x1xf32, #tpu.memory_space<vmem>>, vector<1024x1xf32>,
      %swap3A_101 = arith.constant 0 : index
      %swap3A_102 = arith.constant 0 : index
      %swap3A_103 = vector.load %arg14[%swap3A_101, %swap3A_102] : memref<1024x1xi32, #tpu.memory_space<vmem>>, vector<1024x1xi32>
      tpu.vector_store %arg14[%swap3A_101, %swap3A_102], %add3A_34 {strides = array<i32>} : memref<1024x1xi32, #tpu.memory_space<vmem>>, vector<1024x1xi32>,
    } else {
    }
    %jit3A_52 = arith.constant 2 : i32
    %eq3A_53 = arith.constant 0 : i32
    %eq3A_54 = arith.cmpi eq, %jit3A_52, %eq3A_53 : i32
    %jit3A_55 = arith.constant 1 : i32
    %select_n3A_56 = arith.select %eq3A_54, %jit3A_55, %jit3A_52 : i32
    %rem3A_57 = arith.remsi %arg1, %select_n3A_56 : i32
    %ne3A_58 = arith.constant 0 : i32
    %ne3A_59 = arith.cmpi ne, %rem3A_57, %ne3A_58 : i32
    %lt3A_60 = arith.constant 0 : i32
    %lt3A_61 = arith.cmpi slt, %rem3A_57, %lt3A_60 : i32
    %lt3A_62 = arith.constant 0 : i32
    %lt3A_63 = arith.cmpi slt, %select_n3A_56, %lt3A_62 : i32
    %ne3A_64 = arith.xori %lt3A_61, %lt3A_63 : i1
    %and3A_65 = arith.andi %ne3A_64, %ne3A_59 : i1
    %add3A_66 = arith.addi %rem3A_57, %select_n3A_56 : i32
    %select_n3A_67 = arith.select %and3A_65, %add3A_66, %rem3A_57 : i32
    %ne3A_68 = arith.constant 0 : i32
    %ne3A_69 = arith.cmpi ne, %select_n3A_67, %ne3A_68 : i32
    %convert_element_type3A_70 = arith.extui %ne3A_69 : i1 to i32
    %cond3A_71 = arith.constant 0 : i32
    %cond3A_72 = arith.cmpi ne, %convert_element_type3A_70, %cond3A_71 : i32
    scf.if %cond3A_72 {
      %get3A_99 = arith.constant 0 : index
      %get3A_100 = arith.constant 0 : index
      %get3A_101 = vector.load %arg13[%get3A_99, %get3A_100] : memref<1024x1xf32, #tpu.memory_space<vmem>>, vector<1024x1xf32>
      %lt3A_102 = arith.cmpf olt, %broadcast_in_dim3A, %get3A_101 : vector<1024x1xf32>
      %get3A_103 = arith.constant 0 : index
      %get3A_104 = arith.constant 0 : index
      %get3A_105 = vector.load %arg14[%get3A_103, %get3A_104] : memref<1024x1xi32, #tpu.memory_space<vmem>>, vector<1024x1xi32>
      %select_n3A_106 = arith.select %lt3A_102, %add3A_34, %get3A_105 : vector<1024x1xi1>, vector<1024x1xi32>
      %swap3A = arith.constant 0 : index
      %swap3A_107 = arith.constant 0 : index
      %swap3A_108 = vector.load %arg14[%swap3A, %swap3A_107] : memref<1024x1xi32, #tpu.memory_space<vmem>>, vector<1024x1xi32>
      tpu.vector_store %arg14[%swap3A, %swap3A_107], %select_n3A_106 {strides = array<i32>} : memref<1024x1xi32, #tpu.memory_space<vmem>>, vector<1024x1xi32>,
      %get3A_109 = arith.constant 0 : index
      %get3A_110 = arith.constant 0 : index
      %get3A_111 = vector.load %arg13[%get3A_109, %get3A_110] : memref<1024x1xf32, #tpu.memory_space<vmem>>, vector<1024x1xf32>
      %select_n3A_112 = arith.select %lt3A_102, %broadcast_in_dim3A, %get3A_111 : vector<1024x1xi1>, vector<1024x1xf32>
      %swap3A_113 = arith.constant 0 : index
      %swap3A_114 = arith.constant 0 : index
      %swap3A_115 = vector.load %arg13[%swap3A_113, %swap3A_114] : memref<1024x1xf32, #tpu.memory_space<vmem>>, vector<1024x1xf32>
      tpu.vector_store %arg13[%swap3A_113, %swap3A_114], %select_n3A_112 {strides = array<i32>} : memref<1024x1xf32, #tpu.memory_space<vmem>>, vector<1024x1xf32>,
    } else {
    }
    %jit3A_73 = arith.constant 2 : i32
    %eq3A_74 = arith.constant 0 : i32
    %eq3A_75 = arith.cmpi eq, %jit3A_73, %eq3A_74 : i32
    %jit3A_76 = arith.constant 1 : i32
    %select_n3A_77 = arith.select %eq3A_75, %jit3A_76, %jit3A_73 : i32
    %rem3A_78 = arith.remsi %arg1, %select_n3A_77 : i32
    %ne3A_79 = arith.constant 0 : i32
    %ne3A_80 = arith.cmpi ne, %rem3A_78, %ne3A_79 : i32
    %lt3A_81 = arith.constant 0 : i32
    %lt3A_82 = arith.cmpi slt, %rem3A_78, %lt3A_81 : i32
    %lt3A_83 = arith.constant 0 : i32
    %lt3A_84 = arith.cmpi slt, %select_n3A_77, %lt3A_83 : i32
    %ne3A_85 = arith.xori %lt3A_82, %lt3A_84 : i1
    %and3A_86 = arith.andi %ne3A_85, %ne3A_80 : i1
    %add3A_87 = arith.addi %rem3A_78, %select_n3A_77 : i32
    %select_n3A_88 = arith.select %and3A_86, %add3A_87, %rem3A_78 : i32
    %eq3A_89 = arith.constant 1 : i32
    %eq3A_90 = arith.cmpi eq, %select_n3A_88, %eq3A_89 : i32
    %convert_element_type3A_91 = arith.extui %eq3A_90 : i1 to i32
    %cond3A_92 = arith.constant 0 : i32
    %cond3A_93 = arith.cmpi ne, %convert_element_type3A_91, %cond3A_92 : i32
    scf.if %cond3A_93 {
      %get3A_99 = arith.constant 0 : index
      %get3A_100 = arith.constant 0 : index
      %get3A_101 = vector.load %arg13[%get3A_99, %get3A_100] : memref<1024x1xf32, #tpu.memory_space<vmem>>, vector<1024x1xf32>
      %get3A_102 = arith.constant 0 : index
      %get3A_103 = arith.constant 0 : index
      %get3A_104 = vector.load %arg14[%get3A_102, %get3A_103] : memref<1024x1xi32, #tpu.memory_space<vmem>>, vector<1024x1xi32>
      %eq3A_105 = arith.constant 1 : i32
      %eq3A_106 = arith.cmpi eq, %arg1, %eq3A_105 : i32
      %convert_element_type3A_107 = arith.extui %eq3A_106 : i1 to i32
      %cond3A_108 = arith.constant 0 : i32
      %cond3A_109 = arith.cmpi ne, %convert_element_type3A_107, %cond3A_108 : i32
      scf.if %cond3A_109 {
        %swap3A = arith.constant 0 : index
        %swap3A_115 = arith.constant 0 : index
        %swap3A_116 = vector.load %arg12[%swap3A, %swap3A_115] : memref<1024x1xi32, #tpu.memory_space<vmem>>, vector<1024x1xi32>
        tpu.vector_store %arg12[%swap3A, %swap3A_115], %get3A_104 {strides = array<i32>} : memref<1024x1xi32, #tpu.memory_space<vmem>>, vector<1024x1xi32>,
        %convert_element_type3A_117 = arith.truncf %get3A_101 : vector<1024x1xf32> to vector<1024x1xbf16>
        %convert_element_type3A_118 = arith.extf %convert_element_type3A_117 : vector<1024x1xbf16> to vector<1024x1xf32>
        %swap3A_119 = arith.constant 0 : index
        %swap3A_120 = arith.constant 0 : index
        %swap3A_121 = vector.load %arg15[%swap3A_119, %swap3A_120] : memref<1024x1xf32, #tpu.memory_space<vmem>>, vector<1024x1xf32>
        tpu.vector_store %arg15[%swap3A_119, %swap3A_120], %convert_element_type3A_118 {strides = array<i32>} : memref<1024x1xf32, #tpu.memory_space<vmem>>, vector<1024x1xf32>,
      } else {
      }
      %ne3A_110 = arith.constant 1 : i32
      %ne3A_111 = arith.cmpi ne, %arg1, %ne3A_110 : i32
      %convert_element_type3A_112 = arith.extui %ne3A_111 : i1 to i32
      %cond3A_113 = arith.constant 0 : i32
      %cond3A_114 = arith.cmpi ne, %convert_element_type3A_112, %cond3A_113 : i32
      scf.if %cond3A_114 {
        %get3A_115 = arith.constant 0 : index
        %get3A_116 = arith.constant 0 : index
        %get3A_117 = vector.load %arg15[%get3A_115, %get3A_116] : memref<1024x1xf32, #tpu.memory_space<vmem>>, vector<1024x1xf32>
        %lt3A_118 = arith.cmpf olt, %get3A_101, %get3A_117 : vector<1024x1xf32>
        %eq3A_119 = arith.cmpf oeq, %get3A_101, %get3A_117 : vector<1024x1xf32>
        %get3A_120 = arith.constant 0 : index
        %get3A_121 = arith.constant 0 : index
        %get3A_122 = vector.load %arg12[%get3A_120, %get3A_121] : memref<1024x1xi32, #tpu.memory_space<vmem>>, vector<1024x1xi32>
        %lt3A_123 = arith.cmpi slt, %get3A_104, %get3A_122 : vector<1024x1xi32>
        %and3A_124 = arith.andi %eq3A_119, %lt3A_123 : vector<1024x1xi1>
        %or3A = arith.ori %lt3A_118, %and3A_124 : vector<1024x1xi1>
        %get3A_125 = arith.constant 0 : index
        %get3A_126 = arith.constant 0 : index
        %get3A_127 = vector.load %arg12[%get3A_125, %get3A_126] : memref<1024x1xi32, #tpu.memory_space<vmem>>, vector<1024x1xi32>
        %select_n3A_128 = arith.select %or3A, %get3A_104, %get3A_127 : vector<1024x1xi1>, vector<1024x1xi32>
        %swap3A = arith.constant 0 : index
        %swap3A_129 = arith.constant 0 : index
        %swap3A_130 = vector.load %arg12[%swap3A, %swap3A_129] : memref<1024x1xi32, #tpu.memory_space<vmem>>, vector<1024x1xi32>
        tpu.vector_store %arg12[%swap3A, %swap3A_129], %select_n3A_128 {strides = array<i32>} : memref<1024x1xi32, #tpu.memory_space<vmem>>, vector<1024x1xi32>,
        %convert_element_type3A_131 = arith.truncf %get3A_101 : vector<1024x1xf32> to vector<1024x1xbf16>
        %convert_element_type3A_132 = arith.extf %convert_element_type3A_131 : vector<1024x1xbf16> to vector<1024x1xf32>
        %select_n3A_133 = arith.select %lt3A_118, %convert_element_type3A_132, %get3A_117 : vector<1024x1xi1>, vector<1024x1xf32>
        %swap3A_134 = arith.constant 0 : index
        %swap3A_135 = arith.constant 0 : index
        %swap3A_136 = vector.load %arg15[%swap3A_134, %swap3A_135] : memref<1024x1xf32, #tpu.memory_space<vmem>>, vector<1024x1xf32>
        tpu.vector_store %arg15[%swap3A_134, %swap3A_135], %select_n3A_133 {strides = array<i32>} : memref<1024x1xf32, #tpu.memory_space<vmem>>, vector<1024x1xf32>,
      } else {
      }
    } else {
    }
    %eq3A_94 = arith.constant 7 : i32
    %eq3A_95 = arith.cmpi eq, %arg1, %eq3A_94 : i32
    %convert_element_type3A_96 = arith.extui %eq3A_95 : i1 to i32
    %cond3A_97 = arith.constant 0 : i32
    %cond3A_98 = arith.cmpi ne, %convert_element_type3A_96, %cond3A_97 : i32
    scf.if %cond3A_98 {
      %get3A_99 = arith.constant 0 : index
      %get3A_100 = arith.constant 0 : index
      %get3A_101 = vector.load %arg12[%get3A_99, %get3A_100] : memref<1024x1xi32, #tpu.memory_space<vmem>>, vector<1024x1xi32>
      %swap3A = arith.constant 0 : index
      %swap3A_102 = arith.constant 0 : index
      %swap3A_103 = vector.load %arg7[%swap3A, %swap3A_102] : memref<1024x1xi32, #tpu.memory_space<vmem>>, vector<1024x1xi32>
      tpu.vector_store %arg7[%swap3A, %swap3A_102], %get3A_101 {strides = array<i32>} : memref<1024x1xi32, #tpu.memory_space<vmem>>, vector<1024x1xi32>,
    } else {
    }
    return
  }
  func.func @transform_0(%arg0: i32, %arg1: i32) -> (i32, i32) {
    %c0_i32 = arith.constant 0 : i32
    %c0_i32_0 = arith.constant 0 : i32
    return %arg0, %c0_i32 : i32, i32
  }
  func.func @transform_1(%arg0: i32, %arg1: i32) -> (i32, i32) {
    %c0_i32 = arith.constant 0 : i32
    %c0_i32_0 = arith.constant 0 : i32
    %c0_i32_1 = arith.constant 0 : i32
    return %c0_i32, %c0_i32_0 : i32, i32
  }
  func.func @transform_2(%arg0: i32, %arg1: i32) -> (i32, i32) {
    %c0_i32 = arith.constant 0 : i32
    %c0_i32_0 = arith.constant 0 : i32
    %c0_i32_1 = arith.constant 0 : i32
    return %c0_i32, %c0_i32_0 : i32, i32
  }
  func.func @transform_3(%arg0: i32, %arg1: i32) -> (i32, i32) {
    %c0_i32 = arith.constant 0 : i32
    %c0_i32_0 = arith.constant 0 : i32
    %c0_i32_1 = arith.constant 0 : i32
    return %c0_i32, %c0_i32_0 : i32, i32
  }
  func.func @transform_4(%arg0: i32, %arg1: i32) -> (i32, i32) {
    %c0_i32 = arith.constant 0 : i32
    %c0_i32_0 = arith.constant 0 : i32
    return %arg0, %c0_i32 : i32, i32
  }
  func.func @transform_5(%arg0: i32, %arg1: i32) -> (i32, i32) {
    %c0_i32 = arith.constant 0 : i32
    %c0_i32_0 = arith.constant 0 : i32
    return %arg0, %c0_i32 : i32, i32
  }
}

</mosaic_0001>

<sc_bundles>
// kernel: kernel.5.cloned.1.call-start
scs
__scs_entry_jumppad:
0x0: {  	(pc) =	sbr.rel $0x88, $3  }
0x1: {  	(tag) =	ssettag $0x0;
	lr =	simm.s32 $0x1  }
0x2: {  	[smem:$0x3F9B] =	sst lr;
	_ =	strace $0xD0000000  }
0x3: {  	_ = 	snop  }
0x4: {  	_ = 	snop  }
0x5: {  	_ = 	snop  }
0x6: {  	_ = 	snop  }
0x7: {  	_ = 	snop  }
__scs_overlays_trampoline_lowered:
0x8: {  	[smem:$0x3FAA] =	sst s0  }
0x9: {  	[smem:$0x3FAB] =	sst s1  }
0xa: {  	[smem:$0x3FAC] =	sst s2  }
0xb: {  	[smem:$0x3FAD] =	sst s3  }
0xc: {  	[smem:$0x3FAE] =	sst s4  }
0xd: {  	[smem:$0x3FAF] =	sst s5  }
0xe: {  	[smem:$0x3FB0] =	sst s6  }
0xf: {  	[smem:$0x3FB1] =	sst s7  }
0x10: {  	[smem:$0x3FB2] =	sst s8  }
0x11: {  	[smem:$0x3FB3] =	sst s9;
	s0 =	simm.s32 @!p0 $0x0  }
0x12: {  	s1 =	sld [smem:$0x3F99];
	s0 =	simm.s32 @p0 $0x1  }
0x13: {  	[smem:$0x3FB4] =	sst s0;
	s0 =	simm.s32 @!p1 $0x0  }
0x14: {  	s2 =	sld [smem:$0x3F98];
	s0 =	simm.s32 @p1 $0x1  }
0x15: {  	[smem:$0x3FB5] =	sst s0;
	s0 =	simm.s32 @!p2 $0x0  }
0x16: {  	s3 =	sld [smem:$0x3FDB];
	s0 =	simm.s32 @p2 $0x1  }
0x17: {  	s4 =	simm.s32 $0x1BF5;
	[smem:$0x3FB7] =	sst s0  }
0x18: {  	s0 =	sld [smem:$0x3F9A];
	_ =	swait.ge [sflag:s4], $0x0  }
0x19: {  	s7 =	sld [smem:$0x3F9B]  }
0x1a: {  	s8 =	sadd.s32 $0xFFFFE003, lr  }
0x1b: {  	s9 =	sadd.s32 $0xFFFFFEF7, lr;
	s5 =	simm.s32 $0xFFFFFFFF;
	p2 =	slt.u32 s8, $0xFFFFF086  }
0x1c: {  	p1 =	slt.u32 s9, $0xF7A;
	s5 =	simm.s32 @!p2 $0x0  }
0x1d: {  	s5 =	simm.s32 @p1 $0x1;
	p0 =	seq.s32 s7, s2  }
0x1e: {  	s7 =	smul.u32 @!p0 $0xF7A, s2;
	p2 =	seq.s32 @!p0 s5, $0x0  }
0x1f: {  	s9 =	smul.u32 $0xF7A, s1;
	s8 =	simm.s32 @!p0 $0x1BF5;
	p2 =	por !p2, p0  }
0x20: {  	[sflag:s8] =	ssyncset.s32 @!p0 $0xFFFFF086;
	s6 =	sadd.s32 @!p0 s3, s7;
	s7 =	simm.s32 @!p0 $0x108  }
0x21: {  	s3 =	sadd.s32 s3, s9;
	s6 =	sadd.s32 @!p0 $0x88, s6;
	s7 =	simm.s32 @p2 $0x1082  }
0x22: {  	[simem:s7], [sflag:s8] =	dma.local @!p0 [hbm:s6], $0xF7A  }
0x23: {  	s9 =	sor.u32 $0xD0000000, s2;
	s6 =	simm.s32 $0x108;
	_ =	swait.ge @!p0 [sflag:s8], $0x0  }
0x24: {  	s3 =	sadd.s32 $0x88, s3;
	s6 =	simm.s32 @!p1 $0x1082;
	[sflag:s4] =	ssyncset.s32 $0xFFFFF086  }
0x25: {  	[simem:s6], [sflag:s4] =	dma.local [hbm:s3], $0xF7A  }
0x26: {  	[smem:$0x3F9B] =	sst s1;
	(tag) =	ssettag s2;
	_ =	strace s9  }
0x27: {  	s1 =	sld [smem:$0x3FAB]  }
0x28: {  	s2 =	sld [smem:$0x3FAC]  }
0x29: {  	s4 =	sld [smem:$0x3FAE]  }
0x2a: {  	p0 =	seq.s32 s5, $0x0;
	s5 =	sld [smem:$0x3FAF]  }
0x2b: {  	s6 =	sld [smem:$0x3FB0]  }
0x2c: {  	s7 =	sld [smem:$0x3FB1]  }
0x2d: {  	s3 =	simm.s32 $0x108;
	s8 =	sld [smem:$0x3FB2]  }
0x2e: {  	s3 =	simm.s32 @!p0 $0x1082;
	s9 =	sld [smem:$0x3FB3]  }
0x2f: {  	lr =	sadd.s32 s0, s3;
	s0 =	sld [smem:$0x3FAA]  }
0x30: {  	s3 =	sld [smem:$0x3FAD]  }
0x31: {  	[smem:$0x3FB6] =	sst s10  }
0x32: {  	s10 =	sld [smem:$0x3FB4];
	_ =	sdelay $0x3  }
0x33: {  	p0 =	seq.s32 s10, $0x1;
	s10 =	sld [smem:$0x3FB6];
	_ =	sdelay $0x3  }
0x34: {  	[smem:$0x3FB6] =	sst s10  }
0x35: {  	s10 =	sld [smem:$0x3FB5];
	_ =	sdelay $0x3  }
0x36: {  	p1 =	seq.s32 s10, $0x1;
	s10 =	sld [smem:$0x3FB6];
	_ =	sdelay $0x3  }
0x37: {  	[smem:$0x3FB6] =	sst s10  }
0x38: {  	s10 =	sld [smem:$0x3FB7]  }
0x39: {  	_ = 	snop;
	(pc) =	sbr.ind lr, $3  }
0x3a: {  	_ = 	snop  }
0x3b: {  	_ = 	snop  }
0x3c: {  	p2 =	seq.s32 s10, $0x1;
	s10 =	sld [smem:$0x3FB6]  }
0x3d: {  	_ =	shalt  }
0x3e: {  	_ =	shalt  }
0x3f: {  	_ =	shalt  }
0x40: {  	_ =	shalt  }
0x41: {  	_ =	shalt  }
0x42: {  	_ =	shalt  }
0x43: {  	_ =	shalt  }
0x44: {  	_ =	shalt  }
0x45: {  	_ =	shalt  }
0x46: {  	_ =	shalt  }
0x47: {  	_ =	shalt  }
0x48: {  	_ =	shalt  }
0x49: {  	_ =	shalt  }
0x4a: {  	_ =	shalt  }
0x4b: {  	_ =	shalt  }
0x4c: {  	_ =	shalt  }
0x4d: {  	_ =	shalt  }
0x4e: {  	_ =	shalt  }
0x4f: {  	_ =	shalt  }
0x50: {  	_ =	shalt  }
0x51: {  	_ =	shalt  }
0x52: {  	_ =	shalt  }
0x53: {  	_ =	shalt  }
0x54: {  	_ =	shalt  }
0x55: {  	_ =	shalt  }
0x56: {  	_ =	shalt  }
0x57: {  	_ =	shalt  }
0x58: {  	_ =	shalt  }
0x59: {  	_ =	shalt  }
0x5a: {  	_ =	shalt  }
0x5b: {  	_ =	shalt  }
0x5c: {  	_ =	shalt  }
0x5d: {  	_ =	shalt  }
0x5e: {  	_ =	shalt  }
0x5f: {  	_ =	shalt  }
0x60: {  	_ =	shalt  }
0x61: {  	_ =	shalt  }
0x62: {  	_ =	shalt  }
0x63: {  	_ =	shalt  }
0x64: {  	_ =	shalt  }
0x65: {  	_ =	shalt  }
0x66: {  	_ =	shalt  }
0x67: {  	_ =	shalt  }
0x68: {  	_ =	shalt  }
0x69: {  	_ =	shalt  }
0x6a: {  	_ =	shalt  }
0x6b: {  	_ =	shalt  }
0x6c: {  	_ =	shalt  }
0x6d: {  	_ =	shalt  }
0x6e: {  	_ =	shalt  }
0x6f: {  	_ =	shalt  }
0x70: {  	_ =	shalt  }
0x71: {  	_ =	shalt  }
0x72: {  	_ =	shalt  }
0x73: {  	_ =	shalt  }
0x74: {  	_ =	shalt  }
0x75: {  	_ =	shalt  }
0x76: {  	_ =	shalt  }
0x77: {  	_ =	shalt  }
0x78: {  	_ =	shalt  }
0x79: {  	_ =	shalt  }
0x7a: {  	_ =	shalt  }
0x7b: {  	_ =	shalt  }
0x7c: {  	_ =	shalt  }
0x7d: {  	_ =	shalt  }
0x7e: {  	_ =	shalt  }
0x7f: {  	_ =	shalt  }
0x80: {  	_ =	shalt  }
0x81: {  	_ =	shalt  }
0x82: {  	_ =	shalt  }
0x83: {  	_ =	shalt  }
0x84: {  	_ =	shalt  }
0x85: {  	_ =	shalt  }
0x86: {  	_ =	shalt  }
0x87: {  	_ =	shalt  }
.Lfunc_end0:
.L_simem_size_0:
called_computation_lowered:
.L_overlay_start_0:
0x88: {  	s2 =	sld [smem:$0x3FD9]  }
0x89: {  	s3 =	sld [smem:$0x3FFE];
	_ =	sdelay $0x1  }
0x8a: {  	s1 =	srdreg.scid  }
0x8b: {  	s0 =	sand.u32 $0x1, s1  }
0x8c: {  	s15 =	sshll.u32 s0, $0xA;
	s2 =	sadd.s32 s3, s2  }
0x8d: {  	s2 =	sadd.s32 s2, s15  }
0x8e: {  	[smem:$0x3FC2] =	sst s2  }
0x8f: {  	_ = 	snop  }
0x90: {  	s2 =	sld [smem:$0x3FD0];
	_ =	sdelay $0x2  }
0x91: {  	s4 =	simm.s32 $0xA;
	s5 =	simm.s32 $0x10;
	s16 =	sld [smem:$0x3FC6]  }
0x92: {  	[smem:s5], [sflag:s4] =	dma.local [hbm:s2], $0x1  }
0x93: {  	_ =	swait.eq [sflag:s4], $0x1  }
0x94: {  	[sflag:s4] =	ssyncset.done $0x0  }
0x95: {  	s17 =	sld [smem:$0x10];
	[sflag:s4] =	ssyncadd.s32 $0xFFFFFFFF  }
0x96: {  	s18 =	sld [smem:$0x11];
	(tm) =	ssettm $0x1  }
0x97: {  	s19 =	sld [smem:$0x3FFB];
	_ =	sdelay $0x3  }
0x98: {  	_ =	strace s19  }
0x99: {  	s5 =	sld [smem:$0x3FFC];
	_ =	sdelay $0x3  }
0x9a: {  	_ =	strace s5  }
0x9b: {  	s5 =	sld [smem:$0x3FFD];
	_ =	sdelay $0x3  }
0x9c: {  	_ =	strace s5  }
0x9d: {  	_ =	strace $0x8FFFFFFF  }
0x9e: {  	s20 =	sld [smem:$0x3FDB];
	_ =	sdelay $0x1  }
0x9f: {  	s6 =	simm.s32 $_scs_section_size  }
0xa0: {  	s7 =	simm.s32 $_size__tile_overlayer_lowered;
	s8 =	simm.s32 $_tile_overlayer_lowered  }
0xa1: {  	s23 =	simm.s32 $0x1BFF;
	s22 =	sshll.u32 s8, $0x1;
	s5 =	sadd.s32 s6, s20  }
0xa2: {  	s9 =	simm.s32 $0x0;
	s21 =	sshll.u32 s7, $0x1;
	s7 =	sadd.s32 s22, s5  }
0xa3: {  	[timem:s9], [sflag:s23] =	dma.local [hbm:s7], s21  }
0xa4: {  	_ =	swait.ge [sflag:s23], s21  }
0xa5: {  	s6 =	ssub.s32 $0x0, s21;
	[sflag:s23] =	ssyncset.done $0x0  }
0xa6: {  	[sflag:s23] =	ssyncadd.s32 s6;
	_ =	sdelay $0x1  }
0xa7: {  	s24 =	simm.s32 $0x1B8B  }
0xa8: {  	_ =	swait.ge [sflag:s24], $0x1  }
0xa9: {  	[sflag:s24] =	ssyncset.done $0x0  }
0xaa: {  	s25 =	simm.s32 $0x1B8E;
	[sflag:s24] =	ssyncadd.s32 $0xFFFFFFFF  }
0xab: {  	s26 =	simm.s32 $execute0_lowered;
	[smem:$0x3FD2] =	sst s25  }
0xac: {  	s6 =	sshll.u32 s26, $0x1;
	_ =	strace $0x80000046;
	[dreg:$0x1] =	wrdreg $0xFFFFFFFF  }
0xad: {  	s28 =	simm.s32 $_size_execute0_lowered;
	s5 =	sadd.s32 s5, s6;
	[dreg:$0x0] =	wrdreg $0x0  }
0xae: {  	s6 =	sshll.u32 s28, $0x1;
	[dreg:$0x2] =	wrdreg s5  }
0xaf: {  	[dreg:$0x3] =	wrdreg s6  }
0xb0: {  	[dreg:$0x4] =	wrdreg $0xC0  }
0xb1: {  	_ =	task [dreg:s9], $0x5FFFF  }
0xb2: {  	[dreg:$0x1] =	wrdreg $0xFFFFFFFF  }
0xb3: {  	[dreg:$0x0] =	wrdreg $0x60  }
0xb4: {  	[dreg:$0x2] =	wrdreg s16  }
0xb5: {  	[dreg:$0x3] =	wrdreg s18  }
0xb6: {  	[dreg:$0x4] =	wrdreg s17  }
0xb7: {  	[dreg:$0x5] =	wrdreg $0x9  }
0xb8: {  	_ =	task.clear_ibuf [dreg:s9], $0x6FFFF;
	_ =	strace $0x90000046  }
0xb9: {  	s29 =	simm.s32 $0x9;
	_ =	strace $0x80000048  }
0xba: {  	_ =	swait.ge [sflag:s29], $0x1  }
0xbb: {  	[sflag:s29] =	ssyncadd.s32 $0xFFFFFFFF  }
0xbc: {  	_ =	strace $0x90000048  }
0xbd: {  	_ =	sfence  }
0xbe: {  	s30 =	sld [smem:$0x0];
	_ =	sdelay $0x2  }
0xbf: {  	s31 =	sshll.u32 s1, $0xD;
	s1 =	sshrl.u32 s1, $0x2  }
0xc0: {  	s3 =	sand.u32 $0x4000, s31;
	s1 =	sadd.s32 s1, s30  }
0xc1: {  	s0 =	sor.u32 s3, s0;
	s1 =	sshll.u32 s1, $0x11  }
0xc2: {  	s0 =	sor.u32 s1, s0  }
0xc3: {  	s0 =	sadd.s32 $0x8F2B, s0  }
0xc4: {  	[sflag:s0] =	ssyncadd.remote.s32 $0x1  }
0xc5: {  	_ =	sfence.sel $0xFFFF  }
0xc6: {  	[dreg:$0x0] =	wrdreg $0xFFFFFFFF;
	(pc) =	sbr.abs _section_cstart, $3  }
0xc7: {  	[dreg:$0x1] =	wrdreg $0xFFFFFFFF  }
0xc8: {  	_ =	task.clear_ibuf [dreg:s9], $0x2FFFF;
	_ =	strace $0x9FFFFFFF  }
0xc9: {  	(tm) =	ssettm $0x7FFFFFFF  }
tec
execute0_lowered:
.L_overlay_start_1:
0x0: {  	(tag) =	ssettag $0x1  }
0x1: {  	s1 =	rddreg [dreg:$0x0]  }
0x2: {  	s2 =	srdreg.scid;
	s4 =	rddreg [dreg:$0x1]  }
0x3: {  	s0 =	stileid.u32;
	s5 =	rddreg [dreg:$0x2]  }
0x4: {  	s3 =	simm.s32 $0x0;
	s19 =	simm.s32 $0x900;
	s20 =	simm.s32 $0x1100  }
0x5: {  	s21 =	simm.s32 $0x1900;
	s23 =	simm.s32 $0x2100;
	s24 =	simm.s32 $0x2900  }
0x6: {  	s25 =	simm.s32 $0x3100;
	s26 =	simm.s32 $0x3900;
	s8 =	simm.s32 $0x4900  }
0x7: {  	s9 =	simm.s32 $0x5100;
	s10 =	simm.s32 $0x5900;
	s11 =	simm.s32 $0x6100  }
0x8: {  	s12 =	simm.s32 $0x6900;
	s13 =	simm.s32 $0x7100;
	[smem:$0x7FF] =	sst s3  }
0x9: {  	s14 =	simm.s32 $0x7900;
	_ =	strace $0x80000047;
	[dreg:$0x6] =	wrdreg s19  }
0xa: {  	s15 =	simm.s32 $0x8100;
	s16 =	simm.s32 $0x8900;
	[dreg:$0x7] =	wrdreg s20  }
0xb: {  	s17 =	simm.s32 $0x9100;
	s28 =	simm.s32 $0xE100;
	[dreg:$0x8] =	wrdreg s21  }
0xc: {  	s29 =	simm.s32 $0xE900;
	s30 =	simm.s32 $0xF100;
	[dreg:$0x9] =	wrdreg s23  }
0xd: {  	s31 =	simm.s32 $0xF900;
	s2 =	sand.u32 $0x1, s2;
	[dreg:$0xa] =	wrdreg s24  }
0xe: {  	s6 =	sshll.u32 s0, $0x9;
	s7 =	sshll.u32 s2, $0x8;
	[dreg:$0xb] =	wrdreg s25  }
0xf: {  	s2 =	ssub.s32 $0x2, s2;
	[dreg:$0xc] =	wrdreg s26;
	s19 =	simm.s32 $0xA100  }
0x10: {  	s20 =	simm.s32 $0xA900;
	s21 =	simm.s32 $0xB100;
	s23 =	simm.s32 $0xC100  }
0x11: {  	s24 =	simm.s32 $0xC900;
	s25 =	simm.s32 $0xD100;
	s6 =	sor.u32 s7, s6  }
0x12: {  	s26 =	simm.s32 $0xD900;
	s22 =	sshrl.u32 s2, $0x1;
	s7 =	sshrl.u32 s6, $0x3  }
0x13: {  	s6 =	sshll.u32 s6, $0x5;
	s2 =	ssub.s32 s2, s22;
	s4 =	sadd.s32 s4, s7  }
0x14: {  	v2 =	vlaneseq.u32;
	s22 =	simm.s32 $0xB900;
	s18 =	sadd.s32 s5, s6;
	[dreg:$0x4] =	wrdreg s4  }
0x15: {  	vm0 =	vmmov $0xffff;
	v1 =	vshrl.u32 v2, $0x3;
	s5 =	simm.s32 $0x2;
	s6 =	simm.s32 $0x100;
	[dreg:$0x5] =	wrdreg s18  }
0x16: {  	v0 =	vand.u32 $0x7, v2;
	v2 =	vor.u32 $0x8, v2;
	v1 =	vmul.u32 $0x8, v1;
	s4 =	smax.u32 s2, $0x1;
	s18 =	simm.s32 $0x9900;
	s2 =	simm.s32 $0x1  }
.LBB2_1:
0x17: {  	s0 =	rddreg [dreg:$0x4]  }
0x18: {  	[tilespmem:s3], [sflag:$0x2] =	stream.linear.gather [hbm4b:s0+s3], $0x100, $0x38;
	[tilespmem:$0x10100] =	vst v63  }
0x19: {  	_ =	swait.ge [sflag:s5], $0x100  }
0x1a: {  	[sflag:s5] =	ssyncset.done $0x0  }
0x1b: {  	[sflag:s5] =	ssyncadd.s32 $0xFFFFFF00  }
0x1c: {  	v3 =	vld [tilespmem:$0x0];
	_ =	sdelay $0x4  }
0x1d: {  	v4 =	vshll.u32 v3, $0x1  }
0x1e: {  	v3 =	vand.u32 $0x7, v3;
	v4 =	vand.u32 $0xFFFFFFF0, v4  }
0x1f: {  	v3 =	vor.u32 v3, v4  }
0x20: {  	v4 =	vperm.xlane v3, v0;
	_ =	sdelay $0x1  }
0x21: {  	v3 =	vperm.xlane v3, v2;
	v4 =	vadd.s32 v1, v4;
	_ =	sdelay $0x1  }
0x22: {  	v3 =	vadd.s32 v1, v3;
	_ =	sdelay $0x2  }
0x23: {  	[tilespmem:s6], [sflag:$0x1] =	stream.indirect_vreg.gather [hbm4b:s1+s3], $0x80, v4, vm0, $0xb8;
	[tilespmem:$0x10100] =	vst v63  }
0x24: {  	s7 =	rddreg [dreg:$0x6]  }
0x25: {  	[tilespmem:s7], [sflag:$0x1] =	stream.indirect_vreg.gather [hbm4b:s1+s3], $0x80, v3, vm0, $0xb8;
	[tilespmem:$0x10100] =	vst v63  }
0x26: {  	v3 =	vld [tilespmem:$0x10];
	_ =	sdelay $0x4  }
0x27: {  	v49 =	vshll.u32 v3, $0x1  }
0x28: {  	v3 =	vand.u32 $0x7, v3;
	v4 =	vand.u32 $0xFFFFFFF0, v49  }
0x29: {  	v3 =	vor.u32 v3, v4  }
0x2a: {  	v4 =	vperm.xlane v3, v0;
	_ =	sdelay $0x1  }
0x2b: {  	v3 =	vperm.xlane v3, v2;
	v4 =	vadd.s32 v1, v4;
	_ =	sdelay $0x1  }
0x2c: {  	v3 =	vadd.s32 v1, v3;
	_ =	sdelay $0x1  }
0x2d: {  	s0 =	rddreg [dreg:$0x7]  }
0x2e: {  	[tilespmem:s0], [sflag:$0x1] =	stream.indirect_vreg.gather [hbm4b:s1+s3], $0x80, v4, vm0, $0xb8;
	[tilespmem:$0x10100] =	vst v63  }
0x2f: {  	s7 =	rddreg [dreg:$0x8]  }
0x30: {  	[tilespmem:s7], [sflag:$0x1] =	stream.indirect_vreg.gather [hbm4b:s1+s3], $0x80, v3, vm0, $0xb8;
	[tilespmem:$0x10100] =	vst v63  }
0x31: {  	v3 =	vld [tilespmem:$0x20];
	_ =	sdelay $0x4  }
0x32: {  	v50 =	vshll.u32 v3, $0x1  }
0x33: {  	v3 =	vand.u32 $0x7, v3;
	v4 =	vand.u32 $0xFFFFFFF0, v50  }
0x34: {  	v3 =	vor.u32 v3, v4  }
0x35: {  	v4 =	vperm.xlane v3, v0;
	_ =	sdelay $0x1  }
0x36: {  	v3 =	vperm.xlane v3, v2;
	v4 =	vadd.s32 v1, v4;
	_ =	sdelay $0x1  }
0x37: {  	v3 =	vadd.s32 v1, v3;
	_ =	sdelay $0x1  }
0x38: {  	s0 =	rddreg [dreg:$0x9]  }
0x39: {  	[tilespmem:s0], [sflag:$0x1] =	stream.indirect_vreg.gather [hbm4b:s1+s3], $0x80, v4, vm0, $0xb8;
	[tilespmem:$0x10100] =	vst v63  }
0x3a: {  	s7 =	rddreg [dreg:$0xa]  }
0x3b: {  	[tilespmem:s7], [sflag:$0x1] =	stream.indirect_vreg.gather [hbm4b:s1+s3], $0x80, v3, vm0, $0xb8;
	[tilespmem:$0x10100] =	vst v63  }
0x3c: {  	v3 =	vld [tilespmem:$0x30];
	_ =	sdelay $0x4  }
0x3d: {  	v51 =	vshll.u32 v3, $0x1  }
0x3e: {  	v3 =	vand.u32 $0x7, v3;
	v4 =	vand.u32 $0xFFFFFFF0, v51  }
0x3f: {  	v3 =	vor.u32 v3, v4  }
0x40: {  	v4 =	vperm.xlane v3, v0;
	_ =	sdelay $0x1  }
0x41: {  	v3 =	vperm.xlane v3, v2;
	v4 =	vadd.s32 v1, v4;
	_ =	sdelay $0x1  }
0x42: {  	v3 =	vadd.s32 v1, v3;
	_ =	sdelay $0x1  }
0x43: {  	s0 =	rddreg [dreg:$0xb]  }
0x44: {  	[tilespmem:s0], [sflag:$0x1] =	stream.indirect_vreg.gather [hbm4b:s1+s3], $0x80, v4, vm0, $0xb8;
	[tilespmem:$0x10100] =	vst v63  }
0x45: {  	s7 =	rddreg [dreg:$0xc]  }
0x46: {  	[tilespmem:s7], [sflag:$0x1] =	stream.indirect_vreg.gather [hbm4b:s1+s3], $0x80, v3, vm0, $0xb8;
	[tilespmem:$0x10100] =	vst v63  }
0x47: {  	v3 =	vld [tilespmem:$0x40];
	_ =	sdelay $0x4  }
0x48: {  	v52 =	vshll.u32 v3, $0x1  }
0x49: {  	v3 =	vand.u32 $0x7, v3;
	v4 =	vand.u32 $0xFFFFFFF0, v52  }
0x4a: {  	v3 =	vor.u32 v3, v4  }
0x4b: {  	v4 =	vperm.xlane v3, v0;
	_ =	sdelay $0x1  }
0x4c: {  	v3 =	vperm.xlane v3, v2;
	v4 =	vadd.s32 v1, v4;
	_ =	sdelay $0x1  }
0x4d: {  	v3 =	vadd.s32 v1, v3;
	_ =	sdelay $0x1  }
0x4e: {  	s7 =	simm.s32 $0x4100  }
0x4f: {  	[tilespmem:s7], [sflag:$0x1] =	stream.indirect_vreg.gather [hbm4b:s1+s3], $0x80, v4, vm0, $0xb8;
	[tilespmem:$0x10100] =	vst v63  }
0x50: {  	_ = 	snop  }
0x51: {  	[tilespmem:s8], [sflag:$0x1] =	stream.indirect_vreg.gather [hbm4b:s1+s3], $0x80, v3, vm0, $0xb8;
	[tilespmem:$0x10100] =	vst v63  }
0x52: {  	v3 =	vld [tilespmem:$0x50];
	_ =	sdelay $0x4  }
0x53: {  	v53 =	vshll.u32 v3, $0x1  }
0x54: {  	v3 =	vand.u32 $0x7, v3;
	v4 =	vand.u32 $0xFFFFFFF0, v53  }
0x55: {  	v3 =	vor.u32 v3, v4  }
0x56: {  	v4 =	vperm.xlane v3, v0;
	_ =	sdelay $0x1  }
0x57: {  	v3 =	vperm.xlane v3, v2;
	v4 =	vadd.s32 v1, v4;
	_ =	sdelay $0x1  }
0x58: {  	v3 =	vadd.s32 v1, v3;
	_ =	sdelay $0x2  }
0x59: {  	[tilespmem:s9], [sflag:$0x1] =	stream.indirect_vreg.gather [hbm4b:s1+s3], $0x80, v4, vm0, $0xb8;
	[tilespmem:$0x10100] =	vst v63  }
0x5a: {  	_ = 	snop  }
0x5b: {  	[tilespmem:s10], [sflag:$0x1] =	stream.indirect_vreg.gather [hbm4b:s1+s3], $0x80, v3, vm0, $0xb8;
	[tilespmem:$0x10100] =	vst v63  }
0x5c: {  	v3 =	vld [tilespmem:$0x60];
	_ =	sdelay $0x4  }
0x5d: {  	v54 =	vshll.u32 v3, $0x1  }
0x5e: {  	v3 =	vand.u32 $0x7, v3;
	v4 =	vand.u32 $0xFFFFFFF0, v54  }
0x5f: {  	v3 =	vor.u32 v3, v4  }
0x60: {  	v4 =	vperm.xlane v3, v0;
	_ =	sdelay $0x1  }
0x61: {  	v3 =	vperm.xlane v3, v2;
	v4 =	vadd.s32 v1, v4;
	_ =	sdelay $0x1  }
0x62: {  	v3 =	vadd.s32 v1, v3;
	_ =	sdelay $0x2  }
0x63: {  	[tilespmem:s11], [sflag:$0x1] =	stream.indirect_vreg.gather [hbm4b:s1+s3], $0x80, v4, vm0, $0xb8;
	[tilespmem:$0x10100] =	vst v63  }
0x64: {  	_ = 	snop  }
0x65: {  	[tilespmem:s12], [sflag:$0x1] =	stream.indirect_vreg.gather [hbm4b:s1+s3], $0x80, v3, vm0, $0xb8;
	[tilespmem:$0x10100] =	vst v63  }
0x66: {  	v3 =	vld [tilespmem:$0x70];
	_ =	sdelay $0x4  }
0x67: {  	v55 =	vshll.u32 v3, $0x1  }
0x68: {  	v3 =	vand.u32 $0x7, v3;
	v4 =	vand.u32 $0xFFFFFFF0, v55  }
0x69: {  	v3 =	vor.u32 v3, v4  }
0x6a: {  	v4 =	vperm.xlane v3, v0;
	_ =	sdelay $0x1  }
0x6b: {  	v3 =	vperm.xlane v3, v2;
	v4 =	vadd.s32 v1, v4;
	_ =	sdelay $0x1  }
0x6c: {  	v3 =	vadd.s32 v1, v3;
	_ =	sdelay $0x2  }
0x6d: {  	[tilespmem:s13], [sflag:$0x1] =	stream.indirect_vreg.gather [hbm4b:s1+s3], $0x80, v4, vm0, $0xb8;
	[tilespmem:$0x10100] =	vst v63  }
0x6e: {  	_ = 	snop  }
0x6f: {  	[tilespmem:s14], [sflag:$0x1] =	stream.indirect_vreg.gather [hbm4b:s1+s3], $0x80, v3, vm0, $0xb8;
	[tilespmem:$0x10100] =	vst v63  }
0x70: {  	v3 =	vld [tilespmem:$0x80];
	_ =	sdelay $0x4  }
0x71: {  	v56 =	vshll.u32 v3, $0x1  }
0x72: {  	v3 =	vand.u32 $0x7, v3;
	v4 =	vand.u32 $0xFFFFFFF0, v56  }
0x73: {  	v3 =	vor.u32 v3, v4  }
0x74: {  	v4 =	vperm.xlane v3, v0;
	_ =	sdelay $0x1  }
0x75: {  	v3 =	vperm.xlane v3, v2;
	v4 =	vadd.s32 v1, v4;
	_ =	sdelay $0x1  }
0x76: {  	v3 =	vadd.s32 v1, v3;
	_ =	sdelay $0x2  }
0x77: {  	[tilespmem:s15], [sflag:$0x1] =	stream.indirect_vreg.gather [hbm4b:s1+s3], $0x80, v4, vm0, $0xb8;
	[tilespmem:$0x10100] =	vst v63  }
0x78: {  	_ = 	snop  }
0x79: {  	[tilespmem:s16], [sflag:$0x1] =	stream.indirect_vreg.gather [hbm4b:s1+s3], $0x80, v3, vm0, $0xb8;
	[tilespmem:$0x10100] =	vst v63  }
0x7a: {  	v3 =	vld [tilespmem:$0x90];
	_ =	sdelay $0x4  }
0x7b: {  	v57 =	vshll.u32 v3, $0x1  }
0x7c: {  	v3 =	vand.u32 $0x7, v3;
	v4 =	vand.u32 $0xFFFFFFF0, v57  }
0x7d: {  	v3 =	vor.u32 v3, v4  }
0x7e: {  	v4 =	vperm.xlane v3, v0;
	_ =	sdelay $0x1  }
0x7f: {  	v3 =	vperm.xlane v3, v2;
	v4 =	vadd.s32 v1, v4;
	_ =	sdelay $0x1  }
0x80: {  	v3 =	vadd.s32 v1, v3;
	_ =	sdelay $0x2  }
0x81: {  	[tilespmem:s17], [sflag:$0x1] =	stream.indirect_vreg.gather [hbm4b:s1+s3], $0x80, v4, vm0, $0xb8;
	[tilespmem:$0x10100] =	vst v63  }
0x82: {  	_ = 	snop  }
0x83: {  	[tilespmem:s18], [sflag:$0x1] =	stream.indirect_vreg.gather [hbm4b:s1+s3], $0x80, v3, vm0, $0xb8;
	[tilespmem:$0x10100] =	vst v63  }
0x84: {  	v3 =	vld [tilespmem:$0xA0];
	_ =	sdelay $0x4  }
0x85: {  	v58 =	vshll.u32 v3, $0x1  }
0x86: {  	v3 =	vand.u32 $0x7, v3;
	v4 =	vand.u32 $0xFFFFFFF0, v58  }
0x87: {  	v3 =	vor.u32 v3, v4  }
0x88: {  	v4 =	vperm.xlane v3, v0;
	_ =	sdelay $0x1  }
0x89: {  	v3 =	vperm.xlane v3, v2;
	v4 =	vadd.s32 v1, v4;
	_ =	sdelay $0x1  }
0x8a: {  	v3 =	vadd.s32 v1, v3;
	_ =	sdelay $0x2  }
0x8b: {  	[tilespmem:s19], [sflag:$0x1] =	stream.indirect_vreg.gather [hbm4b:s1+s3], $0x80, v4, vm0, $0xb8;
	[tilespmem:$0x10100] =	vst v63  }
0x8c: {  	_ = 	snop  }
0x8d: {  	[tilespmem:s20], [sflag:$0x1] =	stream.indirect_vreg.gather [hbm4b:s1+s3], $0x80, v3, vm0, $0xb8;
	[tilespmem:$0x10100] =	vst v63  }
0x8e: {  	v3 =	vld [tilespmem:$0xB0];
	_ =	sdelay $0x4  }
0x8f: {  	v59 =	vshll.u32 v3, $0x1  }
0x90: {  	v3 =	vand.u32 $0x7, v3;
	v4 =	vand.u32 $0xFFFFFFF0, v59  }
0x91: {  	v3 =	vor.u32 v3, v4  }
0x92: {  	v4 =	vperm.xlane v3, v0;
	_ =	sdelay $0x1  }
0x93: {  	v3 =	vperm.xlane v3, v2;
	v4 =	vadd.s32 v1, v4;
	_ =	sdelay $0x1  }
0x94: {  	v3 =	vadd.s32 v1, v3;
	_ =	sdelay $0x2  }
0x95: {  	[tilespmem:s21], [sflag:$0x1] =	stream.indirect_vreg.gather [hbm4b:s1+s3], $0x80, v4, vm0, $0xb8;
	[tilespmem:$0x10100] =	vst v63  }
0x96: {  	_ = 	snop  }
0x97: {  	[tilespmem:s22], [sflag:$0x1] =	stream.indirect_vreg.gather [hbm4b:s1+s3], $0x80, v3, vm0, $0xb8;
	[tilespmem:$0x10100] =	vst v63  }
0x98: {  	v3 =	vld [tilespmem:$0xC0];
	_ =	sdelay $0x4  }
0x99: {  	v60 =	vshll.u32 v3, $0x1  }
0x9a: {  	v3 =	vand.u32 $0x7, v3;
	v4 =	vand.u32 $0xFFFFFFF0, v60  }
0x9b: {  	v3 =	vor.u32 v3, v4  }
0x9c: {  	v4 =	vperm.xlane v3, v0;
	_ =	sdelay $0x1  }
0x9d: {  	v3 =	vperm.xlane v3, v2;
	v4 =	vadd.s32 v1, v4;
	_ =	sdelay $0x1  }
0x9e: {  	v3 =	vadd.s32 v1, v3;
	_ =	sdelay $0x2  }
0x9f: {  	[tilespmem:s23], [sflag:$0x1] =	stream.indirect_vreg.gather [hbm4b:s1+s3], $0x80, v4, vm0, $0xb8;
	[tilespmem:$0x10100] =	vst v63  }
0xa0: {  	_ = 	snop  }
0xa1: {  	[tilespmem:s24], [sflag:$0x1] =	stream.indirect_vreg.gather [hbm4b:s1+s3], $0x80, v3, vm0, $0xb8;
	[tilespmem:$0x10100] =	vst v63  }
0xa2: {  	v3 =	vld [tilespmem:$0xD0];
	_ =	sdelay $0x4  }
0xa3: {  	v61 =	vshll.u32 v3, $0x1  }
0xa4: {  	v3 =	vand.u32 $0x7, v3;
	v4 =	vand.u32 $0xFFFFFFF0, v61  }
0xa5: {  	v3 =	vor.u32 v3, v4  }
0xa6: {  	v4 =	vperm.xlane v3, v0;
	_ =	sdelay $0x1  }
0xa7: {  	v3 =	vperm.xlane v3, v2;
	v4 =	vadd.s32 v1, v4;
	_ =	sdelay $0x1  }
0xa8: {  	v3 =	vadd.s32 v1, v3;
	_ =	sdelay $0x2  }
0xa9: {  	[tilespmem:s25], [sflag:$0x1] =	stream.indirect_vreg.gather [hbm4b:s1+s3], $0x80, v4, vm0, $0xb8;
	[tilespmem:$0x10100] =	vst v63  }
0xaa: {  	_ = 	snop  }
0xab: {  	[tilespmem:s26], [sflag:$0x1] =	stream.indirect_vreg.gather [hbm4b:s1+s3], $0x80, v3, vm0, $0xb8;
	[tilespmem:$0x10100] =	vst v63  }
0xac: {  	v3 =	vld [tilespmem:$0xE0];
	_ =	sdelay $0x4  }
0xad: {  	v62 =	vshll.u32 v3, $0x1  }
0xae: {  	v3 =	vand.u32 $0x7, v3;
	v4 =	vand.u32 $0xFFFFFFF0, v62  }
0xaf: {  	v3 =	vor.u32 v3, v4  }
0xb0: {  	v4 =	vperm.xlane v3, v0;
	_ =	sdelay $0x1  }
0xb1: {  	v3 =	vperm.xlane v3, v2;
	v4 =	vadd.s32 v1, v4;
	_ =	sdelay $0x1  }
0xb2: {  	v3 =	vadd.s32 v1, v3;
	_ =	sdelay $0x2  }
0xb3: {  	[tilespmem:s28], [sflag:$0x1] =	stream.indirect_vreg.gather [hbm4b:s1+s3], $0x80, v4, vm0, $0xb8;
	[tilespmem:$0x10100] =	vst v63  }
0xb4: {  	_ = 	snop  }
0xb5: {  	[tilespmem:s29], [sflag:$0x1] =	stream.indirect_vreg.gather [hbm4b:s1+s3], $0x80, v3, vm0, $0xb8;
	[tilespmem:$0x10100] =	vst v63  }
0xb6: {  	v3 =	vld [tilespmem:$0xF0];
	_ =	sdelay $0x4  }
0xb7: {  	v63 =	vshll.u32 v3, $0x1  }
0xb8: {  	v3 =	vand.u32 $0x7, v3;
	v4 =	vand.u32 $0xFFFFFFF0, v63  }
0xb9: {  	v3 =	vor.u32 v3, v4  }
0xba: {  	v4 =	vperm.xlane v3, v0;
	_ =	sdelay $0x1  }
0xbb: {  	v3 =	vperm.xlane v3, v2;
	v4 =	vadd.s32 v1, v4;
	_ =	sdelay $0x1  }
0xbc: {  	v3 =	vadd.s32 v1, v3;
	_ =	sdelay $0x2  }
0xbd: {  	[tilespmem:s30], [sflag:$0x1] =	stream.indirect_vreg.gather [hbm4b:s1+s3], $0x80, v4, vm0, $0xb8;
	[tilespmem:$0x10100] =	vst v63  }
0xbe: {  	_ = 	snop  }
0xbf: {  	[tilespmem:s31], [sflag:$0x1] =	stream.indirect_vreg.gather [hbm4b:s1+s3], $0x80, v3, vm0, $0xb8;
	[tilespmem:$0x10100] =	vst v63  }
0xc0: {  	_ =	swait.ge [sflag:s2], $0x10000  }
0xc1: {  	p0 =	sne.s32 s4, $0x1;
	[sflag:s2] =	ssyncset.done $0x0  }
.Ltmp0:
0xc2: {  	s7 =	rddreg [dreg:$0x5];
	[sflag:s2] =	ssyncadd.s32 $0xFFFF0000;
	(pc) =	sbr.rel @p0 .LBB2_1-.Ltmp0, $4  }
0xc3: {  	[hbm4b:s7+s3] =	stream.linear.scatter [tilespmem:s6], [sflag:$0x2], $0x10000, $0x38;
	[tilespmem:$0x10100] =	vst v63  }
0xc4: {  	_ =	swait.ge [sflag:s5], $0x10000  }
0xc5: {  	[sflag:s5] =	ssyncset.done $0x0  }
0xc6: {  	s4 =	sadd.s32 $0xFFFFFFFF, s4;
	[sflag:s5] =	ssyncadd.s32 $0xFFFF0000  }
0xc7: {  	_ =	sfence.sel $0x180000  }
0xc8: {  	[bflag:$0x0] =	sbarrier.arrive $0xFFFF  }
0xc9: {  	_ =	strace $0x90000047  }
0xca: {  	s0 =	stileid.u32;
	[bflag:$0x2] =	sbarrier.arrive $0xFFFF  }
0xcb: {  	p0 =	sne.s32 s0, $0x0;
	s0 =	rddreg [dreg:$0x3]  }
0xcc: {  	s0 =	sadd.s32 @!p0 $0x100000, s0  }
0xcd: {  	[sflag:s0] =	ssyncadd.tile.s32 @!p0 $0x1;
	_ =	shalt  }
.Lfunc_end2:
_tile_overlayer_lowered:
.L_overlay_start_2:
0xce: {  	(tag) =	ssettag $0x2  }
0xcf: {  	s0 =	rddreg [dreg:$0x0];
	s2 =	stileid.u32  }
0xd0: {  	s1 =	rddreg [dreg:$0x1];
	p0 =	sne.s32 s2, $0x0  }
0xd1: {  	s3 =	rddreg [dreg:$0x2];
	[bflag:$0x3] =	sbarrier.arrive $0xFFFF;
	s2 =	simm.s32 @!p0 $0x1C02  }
0xd2: {  	[timem:s3], [sflag:s2] =	dma.local @!p0 [hbm:s0], s1  }
0xd3: {  	s0 =	simm.s32 @!p0 $0x2  }
0xd4: {  	_ =	swait.ge @!p0 [sflag:s0], s1  }
0xd5: {  	s1 =	ssub.s32 @!p0 $0x0, s1;
	[sflag:s0] =	ssyncset.done @!p0 $0x0  }
0xd6: {  	[sflag:s0] =	ssyncadd.s32 @!p0 s1  }
0xd7: {  	[bflag:$0x3] =	sbarrier.arrive $0xFFFF  }
0xd8: {  	_ =	shalt  }

</sc_bundles>
